<compile_context>
chip_gen: v7x
topology: tpu7x:2x2x1
jax: 0.10.2.dev20260603
libtpu: 0.0.44.dev20260713+nightly
codegen_flags: <defaults>
</compile_context>

<pallas_src>
import functools

import jax
import jax.numpy as jnp
from jax import lax
from jax.experimental import pallas as pl
from jax.experimental.pallas import tpu as pltpu
from jax.experimental.pallas import tpu_sc as plsc

_BSZ, _NP, _K = 16, 5000, 4
_INFO = plsc.get_sparse_core_info()
_NC, _NS, _L = _INFO.num_cores, _INFO.num_subcores, _INFO.num_lanes
_IN_ROW = _NP * _K * 4
_OUT_ROW = _NP * 4
_CHP = 2504
_POB = 2496
_IN_CH = _CHP * 16
_OUT_CH = _CHP * 4
_HALF_OUT = _POB * 4
_NITER = _OUT_CH // _L
_BPC = _NS // 2

_mesh = plsc.VectorSubcoreMesh(core_axis_name="c", subcore_axis_name="s")


@functools.partial(
    pl.kernel,
    mesh=_mesh,
    out_type=jax.ShapeDtypeStruct((_BSZ, _OUT_ROW), jnp.float32),
    scratch_types=[
        pltpu.VMEM((_IN_CH,), jnp.float32),
        pltpu.VMEM((_OUT_ROW,), jnp.float32),
        pltpu.VMEM((_L,), jnp.float32),
        pltpu.VMEM_SHARED((_BPC * _OUT_CH,), jnp.float32),
    ],
    compiler_params=pltpu.CompilerParams(needs_layout_passes=False),
)
def _sc_postprocess(boxes_hbm, scale_hbm, out_hbm, in_v, out_v, sc_v, shared):
    c = lax.axis_index("c")
    s = lax.axis_index("s")
    g = s // 2
    half = s % 2
    b = c * _BPC + g

    pltpu.sync_copy(boxes_hbm.at[b].at[pl.ds(half * _POB * 16, _IN_CH)], in_v)
    pltpu.sync_copy(scale_hbm.at[pl.ds(b * _L, _L)], sc_v)

    i = lax.iota(jnp.int32, _L)
    scale = sc_v[...]
    sign = jnp.where((i & 2) != 0, 0.5, -0.5).astype(jnp.float32)
    base_a = ((i >> 2) * 16) + (i & 1)

    def body(j, carry):
        idx_a = base_a + j * 64
        a = plsc.load_gather(in_v, [idx_a])
        d = plsc.load_gather(in_v, [idx_a + 2])
        out_v[pl.ds(j * _L, _L)] = (a + sign * d) * scale
        return carry

    lax.fori_loop(0, _NITER, body, 0, unroll=8)

    @pl.when(half == 1)
    def _():
        pltpu.sync_copy(out_v.at[pl.ds(0, _OUT_CH)],
                        shared.at[pl.ds(g * _OUT_CH, _OUT_CH)])

    plsc.subcore_barrier()

    @pl.when(half == 0)
    def _():
        pltpu.sync_copy(shared.at[pl.ds(g * _OUT_CH, _OUT_CH)],
                        out_v.at[pl.ds(_HALF_OUT, _OUT_CH)])
        pltpu.sync_copy(out_v.at[pl.ds(0, _OUT_ROW)], out_hbm.at[b])


def kernel(pred_boxes, phrase_mask, target_sizes, scale_to_original_shape):
    del phrase_mask
    ts = target_sizes.astype(jnp.float32)
    ts = jnp.where(jnp.asarray(scale_to_original_shape) != 0,
                   ts, jnp.ones_like(ts))
    wh = jnp.stack([ts[:, 1], ts[:, 0], ts[:, 1], ts[:, 0]], axis=-1)
    scale_rows = jnp.tile(wh, (1, 4)).reshape(-1)
    out = _sc_postprocess(pred_boxes.reshape(_BSZ, _IN_ROW), scale_rows)
    return out.reshape(_BSZ, _NP, 4)

# --- scband reference (transcript-rebuilt; emitter-appended) ---
"""Pipeline reference for scband-post-process-vgmulti-phrase-79310866088129 (READ-ONLY COPY).

The authoritative reference and input builder live on the scoring server;
editing this copy changes nothing except your own understanding.
"""

import jax, jax.numpy as jnp
import numpy as np

BSZ, NUM_PHRASE, K = 16, 5000, 4


def box_cxcywh_to_xyxy(x):
    cx = x[..., 0]
    cy = x[..., 1]
    w = x[..., 2]
    h = x[..., 3]
    return jnp.stack([cx - 0.5 * w, cy - 0.5 * h, cx + 0.5 * w, cy + 0.5 * h], axis=-1)


def setup_inputs(seed: int = 0):
    key = jax.random.key(seed)
    k1, k2 = jax.random.split(key)
    pred_boxes = jax.random.uniform(k1, (BSZ, NUM_PHRASE, K, 4), dtype=jnp.float32)
    phrase_mask = jnp.ones((BSZ, NUM_PHRASE, K, 4), dtype=bool)
    target_sizes = jax.random.randint(k2, (BSZ, 2), 0, 1333).astype(jnp.int32)
    return {
        "pred_boxes": pred_boxes,
        "phrase_mask": phrase_mask,
        "target_sizes": target_sizes,
        "scale_to_original_shape": 1,
    }


def reference(pred_boxes, phrase_mask, target_sizes, scale_to_original_shape):
    bsz, num_phrase, k, _ = pred_boxes.shape
    # mask.view(bsz, num_phrase, k, -1)
    mask = phrase_mask.reshape(bsz, num_phrase, k, -1)
    boxes_all = []
    for i in range(bsz):
        # torch.masked_select(out_bbox[i], mask_i).view(-1, k, 4)
        mask_i = jnp.broadcast_to(mask[i], (num_phrase, k, 4)).reshape(-1)
        order = jnp.argsort(jnp.logical_not(mask_i), stable=True)
        flat = jnp.take(pred_boxes[i].reshape(-1), order, axis=0)
        pred_i = flat.reshape(-1, k, 4)
        out_bbox_i = pred_i[:, 0, :]
        boxes = box_cxcywh_to_xyxy(out_bbox_i)
        img_h = target_sizes[i, 0].astype(jnp.float32)
        img_w = target_sizes[i, 1].astype(jnp.float32)
        scale_fct = jnp.stack([img_w, img_h, img_w, img_h])
        boxes = jnp.where(scale_to_original_shape != 0, boxes * scale_fct[None, :], boxes)
        boxes_all.append(boxes)
    # all masks select the same count here, so results stack into one array
    return jnp.stack(boxes_all, axis=0)

if __name__ == "__main__":
    import jax
    _d = setup_inputs()
    print(jax.jit(kernel)(*tuple(_d.values())))

</pallas_src>

<mosaic_0001>
#map = affine_map<(d0, d1) -> (0, 0)>
#map1 = affine_map<(d0, d1) -> (0)>
module attributes {stable_mosaic.version = 14 : i64} {
  func.func @_sc_postprocess(%arg0: i32, %arg1: i32, %arg2: memref<16x80000xf32, #tpu.memory_space<hbm>>, %arg3: memref<256xf32, #tpu.memory_space<hbm>>, %arg4: memref<16x20000xf32, #tpu.memory_space<hbm>>, %arg5: memref<40064xf32, #tpu.memory_space<vmem>>, %arg6: memref<20000xf32, #tpu.memory_space<vmem>>, %arg7: memref<16xf32, #tpu.memory_space<vmem>>, %arg8: memref<80128xf32, #tpu.memory_space<vmem_shared>>) attributes {dimension_semantics = [#tpu.dimension_semantics<core_parallel>, #tpu.dimension_semantics<subcore_parallel>], iteration_bounds = array<i64: 2, 16>, scalar_prefetch = 0 : i64, scratch_operands = 4 : i64, tpu.core_type = #tpu.core_type<sc_vector_subcore>, window_params = [{transform_indices = #map}, {transform_indices = #map1}, {transform_indices = #map}]} {
    %jit3A = arith.constant 2 : i32
    %div3A = arith.divsi %arg1, %jit3A : i32
    %sign3A = arith.constant 0 : i32
    %sign3A_0 = arith.cmpi sgt, %arg1, %sign3A : i32
    %sign3A_1 = arith.extui %sign3A_0 : i1 to i32
    %sign3A_2 = arith.constant 0 : i32
    %sign3A_3 = arith.cmpi slt, %arg1, %sign3A_2 : i32
    %sign3A_4 = arith.extui %sign3A_3 : i1 to i32
    %sign3A_5 = arith.subi %sign3A_1, %sign3A_4 : i32
    %sign3A_6 = arith.constant 0 : i32
    %sign3A_7 = arith.cmpi sgt, %jit3A, %sign3A_6 : i32
    %sign3A_8 = arith.extui %sign3A_7 : i1 to i32
    %sign3A_9 = arith.constant 0 : i32
    %sign3A_10 = arith.cmpi slt, %jit3A, %sign3A_9 : i32
    %sign3A_11 = arith.extui %sign3A_10 : i1 to i32
    %sign3A_12 = arith.subi %sign3A_8, %sign3A_11 : i32
    %ne3A = arith.cmpi ne, %sign3A_5, %sign3A_12 : i32
    %rem3A = arith.remsi %arg1, %jit3A : i32
    %ne3A_13 = arith.constant 0 : i32
    %ne3A_14 = arith.cmpi ne, %rem3A, %ne3A_13 : i32
    %and3A = arith.andi %ne3A, %ne3A_14 : i1
    %sub3A = arith.constant 1 : i32
    %sub3A_15 = arith.subi %div3A, %sub3A : i32
    %select_n3A = arith.select %and3A, %sub3A_15, %div3A : i32
    %jit3A_16 = arith.constant 2 : i32
    %eq3A = arith.constant 0 : i32
    %eq3A_17 = arith.cmpi eq, %jit3A_16, %eq3A : i32
    %jit3A_18 = arith.constant 1 : i32
    %select_n3A_19 = arith.select %eq3A_17, %jit3A_18, %jit3A_16 : i32
    %rem3A_20 = arith.remsi %arg1, %select_n3A_19 : i32
    %ne3A_21 = arith.constant 0 : i32
    %ne3A_22 = arith.cmpi ne, %rem3A_20, %ne3A_21 : i32
    %lt3A = arith.constant 0 : i32
    %lt3A_23 = arith.cmpi slt, %rem3A_20, %lt3A : i32
    %lt3A_24 = arith.constant 0 : i32
    %lt3A_25 = arith.cmpi slt, %select_n3A_19, %lt3A_24 : i32
    %ne3A_26 = arith.xori %lt3A_23, %lt3A_25 : i1
    %and3A_27 = arith.andi %ne3A_26, %ne3A_22 : i1
    %add3A = arith.addi %rem3A_20, %select_n3A_19 : i32
    %select_n3A_28 = arith.select %and3A_27, %add3A, %rem3A_20 : i32
    %mul3A = arith.constant 8 : i32
    %mul3A_29 = arith.muli %arg0, %mul3A : i32
    %add3A_30 = arith.addi %mul3A_29, %select_n3A : i32
    %mul3A_31 = arith.constant 2496 : i32
    %mul3A_32 = arith.muli %select_n3A_28, %mul3A_31 : i32
    %mul3A_33 = arith.constant 16 : i32
    %mul3A_34 = arith.muli %mul3A_32, %mul3A_33 : i32
    "tpu.region"() ({
      %run_scoped3A = tpu.sem_alloc : memref<!tpu.dma_semaphore, #tpu.memory_space<semaphore_mem>>
      %dma_start3A = arith.constant 0 : i32
      %dma_start3A_104 = tpu.memref_slice %arg2[%add3A_30, %dma_start3A] : memref<16x80000xf32, #tpu.memory_space<hbm>> -> memref<1x80000xf32, #tpu.memory_space<hbm>>
      %dma_start3A_105 = tpu.memref_squeeze %dma_start3A_104 : memref<1x80000xf32, #tpu.memory_space<hbm>> -> memref<80000xf32, #tpu.memory_space<hbm>>
      %dma_start3A_106 = tpu.memref_slice %dma_start3A_105[%mul3A_34] : memref<80000xf32, #tpu.memory_space<hbm>> -> memref<40064xf32, #tpu.memory_space<hbm>>
      %dma_start3A_107 = arith.constant 0 : i32
      %dma_start3A_108 = tpu.memref_slice %arg2[%add3A_30, %dma_start3A_107] : memref<16x80000xf32, #tpu.memory_space<hbm>> -> memref<1x80000xf32, #tpu.memory_space<hbm>>
      %dma_start3A_109 = tpu.memref_squeeze %dma_start3A_108 : memref<1x80000xf32, #tpu.memory_space<hbm>> -> memref<80000xf32, #tpu.memory_space<hbm>>
      %dma_start3A_110 = tpu.memref_slice %dma_start3A_109[%mul3A_34] : memref<80000xf32, #tpu.memory_space<hbm>> -> memref<40064xf32, #tpu.memory_space<hbm>>
      tpu.enqueue_dma source(%dma_start3A_110 : memref<40064xf32, #tpu.memory_space<hbm>>) target(%arg5 : memref<40064xf32, #tpu.memory_space<vmem>>) target_semaphore(%run_scoped3A : memref<!tpu.dma_semaphore, #tpu.memory_space<semaphore_mem>>)
      %dma_wait3A = arith.constant 0 : i32
      %dma_wait3A_111 = tpu.memref_slice %arg2[%add3A_30, %dma_wait3A] : memref<16x80000xf32, #tpu.memory_space<hbm>> -> memref<1x80000xf32, #tpu.memory_space<hbm>>
      %dma_wait3A_112 = tpu.memref_squeeze %dma_wait3A_111 : memref<1x80000xf32, #tpu.memory_space<hbm>> -> memref<80000xf32, #tpu.memory_space<hbm>>
      %dma_wait3A_113 = tpu.memref_slice %dma_wait3A_112[%mul3A_34] : memref<80000xf32, #tpu.memory_space<hbm>> -> memref<40064xf32, #tpu.memory_space<hbm>>
      %dma_wait3A_114 = arith.constant 0 : i32
      %dma_wait3A_115 = tpu.memref_slice %arg2[%add3A_30, %dma_wait3A_114] : memref<16x80000xf32, #tpu.memory_space<hbm>> -> memref<1x80000xf32, #tpu.memory_space<hbm>>
      %dma_wait3A_116 = tpu.memref_squeeze %dma_wait3A_115 : memref<1x80000xf32, #tpu.memory_space<hbm>> -> memref<80000xf32, #tpu.memory_space<hbm>>
      %dma_wait3A_117 = tpu.memref_slice %dma_wait3A_116[%mul3A_34] : memref<80000xf32, #tpu.memory_space<hbm>> -> memref<40064xf32, #tpu.memory_space<hbm>>
      tpu.wait_dma2 semaphore(%run_scoped3A : memref<!tpu.dma_semaphore, #tpu.memory_space<semaphore_mem>>) src(%dma_wait3A_117 : memref<40064xf32, #tpu.memory_space<hbm>>) dst(%arg5 : memref<40064xf32, #tpu.memory_space<vmem>>)
      tpu.yield
    }) : () -> ()
    %mul3A_35 = arith.constant 16 : i32
    %mul3A_36 = arith.muli %add3A_30, %mul3A_35 : i32
    "tpu.region"() ({
      %run_scoped3A = tpu.sem_alloc : memref<!tpu.dma_semaphore, #tpu.memory_space<semaphore_mem>>
      %dma_start3A = tpu.memref_slice %arg3[%mul3A_36] : memref<256xf32, #tpu.memory_space<hbm>> -> memref<16xf32, #tpu.memory_space<hbm>>
      %dma_start3A_104 = tpu.memref_slice %arg3[%mul3A_36] : memref<256xf32, #tpu.memory_space<hbm>> -> memref<16xf32, #tpu.memory_space<hbm>>
      tpu.enqueue_dma source(%dma_start3A_104 : memref<16xf32, #tpu.memory_space<hbm>>) target(%arg7 : memref<16xf32, #tpu.memory_space<vmem>>) target_semaphore(%run_scoped3A : memref<!tpu.dma_semaphore, #tpu.memory_space<semaphore_mem>>)
      %dma_wait3A = tpu.memref_slice %arg3[%mul3A_36] : memref<256xf32, #tpu.memory_space<hbm>> -> memref<16xf32, #tpu.memory_space<hbm>>
      %dma_wait3A_105 = tpu.memref_slice %arg3[%mul3A_36] : memref<256xf32, #tpu.memory_space<hbm>> -> memref<16xf32, #tpu.memory_space<hbm>>
      tpu.wait_dma2 semaphore(%run_scoped3A : memref<!tpu.dma_semaphore, #tpu.memory_space<semaphore_mem>>) src(%dma_wait3A_105 : memref<16xf32, #tpu.memory_space<hbm>>) dst(%arg7 : memref<16xf32, #tpu.memory_space<vmem>>)
      tpu.yield
    }) : () -> ()
    %iota3A = tpu.iota {dimensions = array<i32: 0>} : vector<16xi32>
    %get3A = arith.constant 0 : index
    %get3A_37 = tpu.vector_load %arg7[%get3A] {strides = array<i32>} : memref<16xf32, #tpu.memory_space<vmem>>, vector<16xf32>,
    %and3A_38 = arith.constant 2 : i32
    %and3A_39 = vector.broadcast %and3A_38 : i32 to vector<16xi32>
    %and3A_40 = arith.andi %iota3A, %and3A_39 : vector<16xi32>
    %ne3A_41 = arith.constant 0 : i32
    %ne3A_42 = vector.broadcast %ne3A_41 : i32 to vector<16xi32>
    %ne3A_43 = arith.cmpi ne, %and3A_40, %ne3A_42 : vector<16xi32>
    %jit3A_44 = arith.constant 5.000000e-01 : f32
    %jit3A_45 = arith.constant -5.000000e-01 : f32
    %broadcast_in_dim3A = vector.broadcast %jit3A_44 : f32 to vector<16xf32>
    %broadcast_in_dim3A_46 = vector.broadcast %jit3A_45 : f32 to vector<16xf32>
    %select_n3A_47 = arith.select %ne3A_43, %broadcast_in_dim3A, %broadcast_in_dim3A_46 : vector<16xi1>, vector<16xf32>
    %shift_right_arithmetic3A = arith.constant 2 : i32
    %shift_right_arithmetic3A_48 = vector.broadcast %shift_right_arithmetic3A : i32 to vector<16xi32>
    %shift_right_arithmetic3A_49 = arith.shrsi %iota3A, %shift_right_arithmetic3A_48 : vector<16xi32>
    %mul3A_50 = arith.constant 16 : i32
    %mul3A_51 = vector.broadcast %mul3A_50 : i32 to vector<16xi32>
    %mul3A_52 = arith.muli %shift_right_arithmetic3A_49, %mul3A_51 : vector<16xi32>
    %and3A_53 = arith.constant 1 : i32
    %and3A_54 = vector.broadcast %and3A_53 : i32 to vector<16xi32>
    %and3A_55 = arith.andi %iota3A, %and3A_54 : vector<16xi32>
    %add3A_56 = arith.addi %mul3A_52, %and3A_55 : vector<16xi32>
    %scan3A = arith.constant 0 : i32
    %scan3A_57 = arith.constant 0 : i32
    %scan3A_58 = arith.constant 624 : i32
    %scan3A_59 = arith.addi %scan3A_57, %scan3A_58 : i32
    %scan3A_60 = arith.constant 8 : i32
    scf.for %scan3A_104 = %scan3A_57 to %scan3A_59 step %scan3A_60  : i32 {
      %mul3A_105 = arith.constant 64 : i32
      %mul3A_106 = arith.muli %scan3A_104, %mul3A_105 : i32
      %add3A_107 = vector.broadcast %mul3A_106 : i32 to vector<16xi32>
      %add3A_108 = arith.addi %add3A_56, %add3A_107 : vector<16xi32>
      %gather3A_109 = tpu.vector_load_idx %arg5[%add3A_108] : memref<40064xf32, #tpu.memory_space<vmem>>[vector<16xi32>], vector<16xf32>,
      %add3A_110 = arith.constant 2 : i32
      %add3A_111 = vector.broadcast %add3A_110 : i32 to vector<16xi32>
      %add3A_112 = arith.addi %add3A_108, %add3A_111 : vector<16xi32>
      %gather3A_113 = tpu.vector_load_idx %arg5[%add3A_112] : memref<40064xf32, #tpu.memory_space<vmem>>[vector<16xi32>], vector<16xf32>,
      %mul3A_114 = arith.mulf %select_n3A_47, %gather3A_113 : vector<16xf32>
      %add3A_115 = arith.addf %gather3A_109, %mul3A_114 : vector<16xf32>
      %mul3A_116 = arith.mulf %add3A_115, %get3A_37 : vector<16xf32>
      %mul3A_117 = arith.constant 16 : i32
      %mul3A_118 = arith.muli %scan3A_104, %mul3A_117 : i32
      %swap3A_119 = arith.index_cast %mul3A_118 : i32 to index
      %swap3A_120 = tpu.vector_load %arg6[%swap3A_119] {strides = array<i32>} : memref<20000xf32, #tpu.memory_space<vmem>>, vector<16xf32>,
      tpu.vector_store %arg6[%swap3A_119], %mul3A_116 {strides = array<i32>} : memref<20000xf32, #tpu.memory_space<vmem>>, vector<16xf32>,
      %scan3A_121 = arith.constant 1 : i32
      %scan3A_122 = arith.addi %scan3A_104, %scan3A_121 : i32
      %mul3A_123 = arith.constant 64 : i32
      %mul3A_124 = arith.muli %scan3A_122, %mul3A_123 : i32
      %add3A_125 = vector.broadcast %mul3A_124 : i32 to vector<16xi32>
      %add3A_126 = arith.addi %add3A_56, %add3A_125 : vector<16xi32>
      %gather3A_127 = tpu.vector_load_idx %arg5[%add3A_126] : memref<40064xf32, #tpu.memory_space<vmem>>[vector<16xi32>], vector<16xf32>,
      %add3A_128 = arith.constant 2 : i32
      %add3A_129 = vector.broadcast %add3A_128 : i32 to vector<16xi32>
      %add3A_130 = arith.addi %add3A_126, %add3A_129 : vector<16xi32>
      %gather3A_131 = tpu.vector_load_idx %arg5[%add3A_130] : memref<40064xf32, #tpu.memory_space<vmem>>[vector<16xi32>], vector<16xf32>,
      %mul3A_132 = arith.mulf %select_n3A_47, %gather3A_131 : vector<16xf32>
      %add3A_133 = arith.addf %gather3A_127, %mul3A_132 : vector<16xf32>
      %mul3A_134 = arith.mulf %add3A_133, %get3A_37 : vector<16xf32>
      %mul3A_135 = arith.constant 16 : i32
      %mul3A_136 = arith.muli %scan3A_122, %mul3A_135 : i32
      %swap3A_137 = arith.index_cast %mul3A_136 : i32 to index
      %swap3A_138 = tpu.vector_load %arg6[%swap3A_137] {strides = array<i32>} : memref<20000xf32, #tpu.memory_space<vmem>>, vector<16xf32>,
      tpu.vector_store %arg6[%swap3A_137], %mul3A_134 {strides = array<i32>} : memref<20000xf32, #tpu.memory_space<vmem>>, vector<16xf32>,
      %scan3A_139 = arith.constant 2 : i32
      %scan3A_140 = arith.addi %scan3A_104, %scan3A_139 : i32
      %mul3A_141 = arith.constant 64 : i32
      %mul3A_142 = arith.muli %scan3A_140, %mul3A_141 : i32
      %add3A_143 = vector.broadcast %mul3A_142 : i32 to vector<16xi32>
      %add3A_144 = arith.addi %add3A_56, %add3A_143 : vector<16xi32>
      %gather3A_145 = tpu.vector_load_idx %arg5[%add3A_144] : memref<40064xf32, #tpu.memory_space<vmem>>[vector<16xi32>], vector<16xf32>,
      %add3A_146 = arith.constant 2 : i32
      %add3A_147 = vector.broadcast %add3A_146 : i32 to vector<16xi32>
      %add3A_148 = arith.addi %add3A_144, %add3A_147 : vector<16xi32>
      %gather3A_149 = tpu.vector_load_idx %arg5[%add3A_148] : memref<40064xf32, #tpu.memory_space<vmem>>[vector<16xi32>], vector<16xf32>,
      %mul3A_150 = arith.mulf %select_n3A_47, %gather3A_149 : vector<16xf32>
      %add3A_151 = arith.addf %gather3A_145, %mul3A_150 : vector<16xf32>
      %mul3A_152 = arith.mulf %add3A_151, %get3A_37 : vector<16xf32>
      %mul3A_153 = arith.constant 16 : i32
      %mul3A_154 = arith.muli %scan3A_140, %mul3A_153 : i32
      %swap3A_155 = arith.index_cast %mul3A_154 : i32 to index
      %swap3A_156 = tpu.vector_load %arg6[%swap3A_155] {strides = array<i32>} : memref<20000xf32, #tpu.memory_space<vmem>>, vector<16xf32>,
      tpu.vector_store %arg6[%swap3A_155], %mul3A_152 {strides = array<i32>} : memref<20000xf32, #tpu.memory_space<vmem>>, vector<16xf32>,
      %scan3A_157 = arith.constant 3 : i32
      %scan3A_158 = arith.addi %scan3A_104, %scan3A_157 : i32
      %mul3A_159 = arith.constant 64 : i32
      %mul3A_160 = arith.muli %scan3A_158, %mul3A_159 : i32
      %add3A_161 = vector.broadcast %mul3A_160 : i32 to vector<16xi32>
      %add3A_162 = arith.addi %add3A_56, %add3A_161 : vector<16xi32>
      %gather3A_163 = tpu.vector_load_idx %arg5[%add3A_162] : memref<40064xf32, #tpu.memory_space<vmem>>[vector<16xi32>], vector<16xf32>,
      %add3A_164 = arith.constant 2 : i32
      %add3A_165 = vector.broadcast %add3A_164 : i32 to vector<16xi32>
      %add3A_166 = arith.addi %add3A_162, %add3A_165 : vector<16xi32>
      %gather3A_167 = tpu.vector_load_idx %arg5[%add3A_166] : memref<40064xf32, #tpu.memory_space<vmem>>[vector<16xi32>], vector<16xf32>,
      %mul3A_168 = arith.mulf %select_n3A_47, %gather3A_167 : vector<16xf32>
      %add3A_169 = arith.addf %gather3A_163, %mul3A_168 : vector<16xf32>
      %mul3A_170 = arith.mulf %add3A_169, %get3A_37 : vector<16xf32>
      %mul3A_171 = arith.constant 16 : i32
      %mul3A_172 = arith.muli %scan3A_158, %mul3A_171 : i32
      %swap3A_173 = arith.index_cast %mul3A_172 : i32 to index
      %swap3A_174 = tpu.vector_load %arg6[%swap3A_173] {strides = array<i32>} : memref<20000xf32, #tpu.memory_space<vmem>>, vector<16xf32>,
      tpu.vector_store %arg6[%swap3A_173], %mul3A_170 {strides = array<i32>} : memref<20000xf32, #tpu.memory_space<vmem>>, vector<16xf32>,
      %scan3A_175 = arith.constant 4 : i32
      %scan3A_176 = arith.addi %scan3A_104, %scan3A_175 : i32
      %mul3A_177 = arith.constant 64 : i32
      %mul3A_178 = arith.muli %scan3A_176, %mul3A_177 : i32
      %add3A_179 = vector.broadcast %mul3A_178 : i32 to vector<16xi32>
      %add3A_180 = arith.addi %add3A_56, %add3A_179 : vector<16xi32>
      %gather3A_181 = tpu.vector_load_idx %arg5[%add3A_180] : memref<40064xf32, #tpu.memory_space<vmem>>[vector<16xi32>], vector<16xf32>,
      %add3A_182 = arith.constant 2 : i32
      %add3A_183 = vector.broadcast %add3A_182 : i32 to vector<16xi32>
      %add3A_184 = arith.addi %add3A_180, %add3A_183 : vector<16xi32>
      %gather3A_185 = tpu.vector_load_idx %arg5[%add3A_184] : memref<40064xf32, #tpu.memory_space<vmem>>[vector<16xi32>], vector<16xf32>,
      %mul3A_186 = arith.mulf %select_n3A_47, %gather3A_185 : vector<16xf32>
      %add3A_187 = arith.addf %gather3A_181, %mul3A_186 : vector<16xf32>
      %mul3A_188 = arith.mulf %add3A_187, %get3A_37 : vector<16xf32>
      %mul3A_189 = arith.constant 16 : i32
      %mul3A_190 = arith.muli %scan3A_176, %mul3A_189 : i32
      %swap3A_191 = arith.index_cast %mul3A_190 : i32 to index
      %swap3A_192 = tpu.vector_load %arg6[%swap3A_191] {strides = array<i32>} : memref<20000xf32, #tpu.memory_space<vmem>>, vector<16xf32>,
      tpu.vector_store %arg6[%swap3A_191], %mul3A_188 {strides = array<i32>} : memref<20000xf32, #tpu.memory_space<vmem>>, vector<16xf32>,
      %scan3A_193 = arith.constant 5 : i32
      %scan3A_194 = arith.addi %scan3A_104, %scan3A_193 : i32
      %mul3A_195 = arith.constant 64 : i32
      %mul3A_196 = arith.muli %scan3A_194, %mul3A_195 : i32
      %add3A_197 = vector.broadcast %mul3A_196 : i32 to vector<16xi32>
      %add3A_198 = arith.addi %add3A_56, %add3A_197 : vector<16xi32>
      %gather3A_199 = tpu.vector_load_idx %arg5[%add3A_198] : memref<40064xf32, #tpu.memory_space<vmem>>[vector<16xi32>], vector<16xf32>,
      %add3A_200 = arith.constant 2 : i32
      %add3A_201 = vector.broadcast %add3A_200 : i32 to vector<16xi32>
      %add3A_202 = arith.addi %add3A_198, %add3A_201 : vector<16xi32>
      %gather3A_203 = tpu.vector_load_idx %arg5[%add3A_202] : memref<40064xf32, #tpu.memory_space<vmem>>[vector<16xi32>], vector<16xf32>,
      %mul3A_204 = arith.mulf %select_n3A_47, %gather3A_203 : vector<16xf32>
      %add3A_205 = arith.addf %gather3A_199, %mul3A_204 : vector<16xf32>
      %mul3A_206 = arith.mulf %add3A_205, %get3A_37 : vector<16xf32>
      %mul3A_207 = arith.constant 16 : i32
      %mul3A_208 = arith.muli %scan3A_194, %mul3A_207 : i32
      %swap3A_209 = arith.index_cast %mul3A_208 : i32 to index
      %swap3A_210 = tpu.vector_load %arg6[%swap3A_209] {strides = array<i32>} : memref<20000xf32, #tpu.memory_space<vmem>>, vector<16xf32>,
      tpu.vector_store %arg6[%swap3A_209], %mul3A_206 {strides = array<i32>} : memref<20000xf32, #tpu.memory_space<vmem>>, vector<16xf32>,
      %scan3A_211 = arith.constant 6 : i32
      %scan3A_212 = arith.addi %scan3A_104, %scan3A_211 : i32
      %mul3A_213 = arith.constant 64 : i32
      %mul3A_214 = arith.muli %scan3A_212, %mul3A_213 : i32
      %add3A_215 = vector.broadcast %mul3A_214 : i32 to vector<16xi32>
      %add3A_216 = arith.addi %add3A_56, %add3A_215 : vector<16xi32>
      %gather3A_217 = tpu.vector_load_idx %arg5[%add3A_216] : memref<40064xf32, #tpu.memory_space<vmem>>[vector<16xi32>], vector<16xf32>,
      %add3A_218 = arith.constant 2 : i32
      %add3A_219 = vector.broadcast %add3A_218 : i32 to vector<16xi32>
      %add3A_220 = arith.addi %add3A_216, %add3A_219 : vector<16xi32>
      %gather3A_221 = tpu.vector_load_idx %arg5[%add3A_220] : memref<40064xf32, #tpu.memory_space<vmem>>[vector<16xi32>], vector<16xf32>,
      %mul3A_222 = arith.mulf %select_n3A_47, %gather3A_221 : vector<16xf32>
      %add3A_223 = arith.addf %gather3A_217, %mul3A_222 : vector<16xf32>
      %mul3A_224 = arith.mulf %add3A_223, %get3A_37 : vector<16xf32>
      %mul3A_225 = arith.constant 16 : i32
      %mul3A_226 = arith.muli %scan3A_212, %mul3A_225 : i32
      %swap3A_227 = arith.index_cast %mul3A_226 : i32 to index
      %swap3A_228 = tpu.vector_load %arg6[%swap3A_227] {strides = array<i32>} : memref<20000xf32, #tpu.memory_space<vmem>>, vector<16xf32>,
      tpu.vector_store %arg6[%swap3A_227], %mul3A_224 {strides = array<i32>} : memref<20000xf32, #tpu.memory_space<vmem>>, vector<16xf32>,
      %scan3A_229 = arith.constant 7 : i32
      %scan3A_230 = arith.addi %scan3A_104, %scan3A_229 : i32
      %mul3A_231 = arith.constant 64 : i32
      %mul3A_232 = arith.muli %scan3A_230, %mul3A_231 : i32
      %add3A_233 = vector.broadcast %mul3A_232 : i32 to vector<16xi32>
      %add3A_234 = arith.addi %add3A_56, %add3A_233 : vector<16xi32>
      %gather3A_235 = tpu.vector_load_idx %arg5[%add3A_234] : memref<40064xf32, #tpu.memory_space<vmem>>[vector<16xi32>], vector<16xf32>,
      %add3A_236 = arith.constant 2 : i32
      %add3A_237 = vector.broadcast %add3A_236 : i32 to vector<16xi32>
      %add3A_238 = arith.addi %add3A_234, %add3A_237 : vector<16xi32>
      %gather3A_239 = tpu.vector_load_idx %arg5[%add3A_238] : memref<40064xf32, #tpu.memory_space<vmem>>[vector<16xi32>], vector<16xf32>,
      %mul3A_240 = arith.mulf %select_n3A_47, %gather3A_239 : vector<16xf32>
      %add3A_241 = arith.addf %gather3A_235, %mul3A_240 : vector<16xf32>
      %mul3A_242 = arith.mulf %add3A_241, %get3A_37 : vector<16xf32>
      %mul3A_243 = arith.constant 16 : i32
      %mul3A_244 = arith.muli %scan3A_230, %mul3A_243 : i32
      %swap3A_245 = arith.index_cast %mul3A_244 : i32 to index
      %swap3A_246 = tpu.vector_load %arg6[%swap3A_245] {strides = array<i32>} : memref<20000xf32, #tpu.memory_space<vmem>>, vector<16xf32>,
      tpu.vector_store %arg6[%swap3A_245], %mul3A_242 {strides = array<i32>} : memref<20000xf32, #tpu.memory_space<vmem>>, vector<16xf32>,
    }
    %scan3A_61 = arith.constant 624 : i32
    %scan3A_62 = arith.addi %scan3A_57, %scan3A_61 : i32
    %mul3A_63 = arith.constant 64 : i32
    %mul3A_64 = arith.muli %scan3A_62, %mul3A_63 : i32
    %add3A_65 = vector.broadcast %mul3A_64 : i32 to vector<16xi32>
    %add3A_66 = arith.addi %add3A_56, %add3A_65 : vector<16xi32>
    %gather3A = tpu.vector_load_idx %arg5[%add3A_66] : memref<40064xf32, #tpu.memory_space<vmem>>[vector<16xi32>], vector<16xf32>,
    %add3A_67 = arith.constant 2 : i32
    %add3A_68 = vector.broadcast %add3A_67 : i32 to vector<16xi32>
    %add3A_69 = arith.addi %add3A_66, %add3A_68 : vector<16xi32>
    %gather3A_70 = tpu.vector_load_idx %arg5[%add3A_69] : memref<40064xf32, #tpu.memory_space<vmem>>[vector<16xi32>], vector<16xf32>,
    %mul3A_71 = arith.mulf %select_n3A_47, %gather3A_70 : vector<16xf32>
    %add3A_72 = arith.addf %gather3A, %mul3A_71 : vector<16xf32>
    %mul3A_73 = arith.mulf %add3A_72, %get3A_37 : vector<16xf32>
    %mul3A_74 = arith.constant 16 : i32
    %mul3A_75 = arith.muli %scan3A_62, %mul3A_74 : i32
    %swap3A = arith.index_cast %mul3A_75 : i32 to index
    %swap3A_76 = tpu.vector_load %arg6[%swap3A] {strides = array<i32>} : memref<20000xf32, #tpu.memory_space<vmem>>, vector<16xf32>,
    tpu.vector_store %arg6[%swap3A], %mul3A_73 {strides = array<i32>} : memref<20000xf32, #tpu.memory_space<vmem>>, vector<16xf32>,
    %scan3A_77 = arith.constant 625 : i32
    %scan3A_78 = arith.addi %scan3A_57, %scan3A_77 : i32
    %mul3A_79 = arith.constant 64 : i32
    %mul3A_80 = arith.muli %scan3A_78, %mul3A_79 : i32
    %add3A_81 = vector.broadcast %mul3A_80 : i32 to vector<16xi32>
    %add3A_82 = arith.addi %add3A_56, %add3A_81 : vector<16xi32>
    %gather3A_83 = tpu.vector_load_idx %arg5[%add3A_82] : memref<40064xf32, #tpu.memory_space<vmem>>[vector<16xi32>], vector<16xf32>,
    %add3A_84 = arith.constant 2 : i32
    %add3A_85 = vector.broadcast %add3A_84 : i32 to vector<16xi32>
    %add3A_86 = arith.addi %add3A_82, %add3A_85 : vector<16xi32>
    %gather3A_87 = tpu.vector_load_idx %arg5[%add3A_86] : memref<40064xf32, #tpu.memory_space<vmem>>[vector<16xi32>], vector<16xf32>,
    %mul3A_88 = arith.mulf %select_n3A_47, %gather3A_87 : vector<16xf32>
    %add3A_89 = arith.addf %gather3A_83, %mul3A_88 : vector<16xf32>
    %mul3A_90 = arith.mulf %add3A_89, %get3A_37 : vector<16xf32>
    %mul3A_91 = arith.constant 16 : i32
    %mul3A_92 = arith.muli %scan3A_78, %mul3A_91 : i32
    %swap3A_93 = arith.index_cast %mul3A_92 : i32 to index
    %swap3A_94 = tpu.vector_load %arg6[%swap3A_93] {strides = array<i32>} : memref<20000xf32, #tpu.memory_space<vmem>>, vector<16xf32>,
    tpu.vector_store %arg6[%swap3A_93], %mul3A_90 {strides = array<i32>} : memref<20000xf32, #tpu.memory_space<vmem>>, vector<16xf32>,
    %scan3A_95 = arith.constant 626 : i32
    %eq3A_96 = arith.constant 1 : i32
    %eq3A_97 = arith.cmpi eq, %select_n3A_28, %eq3A_96 : i32
    %convert_element_type3A = arith.extui %eq3A_97 : i1 to i32
    %cond3A = arith.constant 0 : i32
    %cond3A_98 = arith.cmpi ne, %convert_element_type3A, %cond3A : i32
    scf.if %cond3A_98 {
      %mul3A_104 = arith.constant 10016 : i32
      %mul3A_105 = arith.muli %select_n3A, %mul3A_104 : i32
      "tpu.region"() ({
        %run_scoped3A = tpu.sem_alloc : memref<!tpu.dma_semaphore, #tpu.memory_space<semaphore_mem>>
        %dma_start3A = arith.constant 0 : i32
        %dma_start3A_106 = tpu.memref_slice %arg6[%dma_start3A] : memref<20000xf32, #tpu.memory_space<vmem>> -> memref<10016xf32, #tpu.memory_space<vmem>>
        %dma_start3A_107 = tpu.memref_slice %arg8[%mul3A_105] : memref<80128xf32, #tpu.memory_space<vmem_shared>> -> memref<10016xf32, #tpu.memory_space<vmem_shared>>
        %dma_start3A_108 = tpu.memref_slice %arg8[%mul3A_105] : memref<80128xf32, #tpu.memory_space<vmem_shared>> -> memref<10016xf32, #tpu.memory_space<vmem_shared>>
        %dma_start3A_109 = arith.constant 0 : i32
        %dma_start3A_110 = tpu.memref_slice %arg6[%dma_start3A_109] : memref<20000xf32, #tpu.memory_space<vmem>> -> memref<10016xf32, #tpu.memory_space<vmem>>
        tpu.enqueue_dma source(%dma_start3A_110 : memref<10016xf32, #tpu.memory_space<vmem>>) target(%dma_start3A_108 : memref<10016xf32, #tpu.memory_space<vmem_shared>>) target_semaphore(%run_scoped3A : memref<!tpu.dma_semaphore, #tpu.memory_space<semaphore_mem>>)
        %dma_wait3A = arith.constant 0 : i32
        %dma_wait3A_111 = tpu.memref_slice %arg6[%dma_wait3A] : memref<20000xf32, #tpu.memory_space<vmem>> -> memref<10016xf32, #tpu.memory_space<vmem>>
        %dma_wait3A_112 = tpu.memref_slice %arg8[%mul3A_105] : memref<80128xf32, #tpu.memory_space<vmem_shared>> -> memref<10016xf32, #tpu.memory_space<vmem_shared>>
        %dma_wait3A_113 = tpu.memref_slice %arg8[%mul3A_105] : memref<80128xf32, #tpu.memory_space<vmem_shared>> -> memref<10016xf32, #tpu.memory_space<vmem_shared>>
        %dma_wait3A_114 = arith.constant 0 : i32
        %dma_wait3A_115 = tpu.memref_slice %arg6[%dma_wait3A_114] : memref<20000xf32, #tpu.memory_space<vmem>> -> memref<10016xf32, #tpu.memory_space<vmem>>
        tpu.wait_dma2 semaphore(%run_scoped3A : memref<!tpu.dma_semaphore, #tpu.memory_space<semaphore_mem>>) src(%dma_wait3A_115 : memref<10016xf32, #tpu.memory_space<vmem>>) dst(%dma_wait3A_113 : memref<10016xf32, #tpu.memory_space<vmem_shared>>)
        tpu.yield
      }) : () -> ()
    } else {
    }
    %barrier3A = arith.constant 0 : index
    tpu.barrier barrier_id(%barrier3A)
    %eq3A_99 = arith.constant 0 : i32
    %eq3A_100 = arith.cmpi eq, %select_n3A_28, %eq3A_99 : i32
    %convert_element_type3A_101 = arith.extui %eq3A_100 : i1 to i32
    %cond3A_102 = arith.constant 0 : i32
    %cond3A_103 = arith.cmpi ne, %convert_element_type3A_101, %cond3A_102 : i32
    scf.if %cond3A_103 {
      %mul3A_104 = arith.constant 10016 : i32
      %mul3A_105 = arith.muli %select_n3A, %mul3A_104 : i32
      "tpu.region"() ({
        %run_scoped3A = tpu.sem_alloc : memref<!tpu.dma_semaphore, #tpu.memory_space<semaphore_mem>>
        %dma_start3A = arith.constant 9984 : i32
        %dma_start3A_106 = tpu.memref_slice %arg6[%dma_start3A] : memref<20000xf32, #tpu.memory_space<vmem>> -> memref<10016xf32, #tpu.memory_space<vmem>>
        %dma_start3A_107 = tpu.memref_slice %arg8[%mul3A_105] : memref<80128xf32, #tpu.memory_space<vmem_shared>> -> memref<10016xf32, #tpu.memory_space<vmem_shared>>
        %dma_start3A_108 = arith.constant 9984 : i32
        %dma_start3A_109 = tpu.memref_slice %arg6[%dma_start3A_108] : memref<20000xf32, #tpu.memory_space<vmem>> -> memref<10016xf32, #tpu.memory_space<vmem>>
        %dma_start3A_110 = tpu.memref_slice %arg8[%mul3A_105] : memref<80128xf32, #tpu.memory_space<vmem_shared>> -> memref<10016xf32, #tpu.memory_space<vmem_shared>>
        tpu.enqueue_dma source(%dma_start3A_110 : memref<10016xf32, #tpu.memory_space<vmem_shared>>) target(%dma_start3A_109 : memref<10016xf32, #tpu.memory_space<vmem>>) target_semaphore(%run_scoped3A : memref<!tpu.dma_semaphore, #tpu.memory_space<semaphore_mem>>)
        %dma_wait3A = arith.constant 9984 : i32
        %dma_wait3A_111 = tpu.memref_slice %arg6[%dma_wait3A] : memref<20000xf32, #tpu.memory_space<vmem>> -> memref<10016xf32, #tpu.memory_space<vmem>>
        %dma_wait3A_112 = tpu.memref_slice %arg8[%mul3A_105] : memref<80128xf32, #tpu.memory_space<vmem_shared>> -> memref<10016xf32, #tpu.memory_space<vmem_shared>>
        %dma_wait3A_113 = arith.constant 9984 : i32
        %dma_wait3A_114 = tpu.memref_slice %arg6[%dma_wait3A_113] : memref<20000xf32, #tpu.memory_space<vmem>> -> memref<10016xf32, #tpu.memory_space<vmem>>
        %dma_wait3A_115 = tpu.memref_slice %arg8[%mul3A_105] : memref<80128xf32, #tpu.memory_space<vmem_shared>> -> memref<10016xf32, #tpu.memory_space<vmem_shared>>
        tpu.wait_dma2 semaphore(%run_scoped3A : memref<!tpu.dma_semaphore, #tpu.memory_space<semaphore_mem>>) src(%dma_wait3A_115 : memref<10016xf32, #tpu.memory_space<vmem_shared>>) dst(%dma_wait3A_114 : memref<10016xf32, #tpu.memory_space<vmem>>)
        tpu.yield
      }) : () -> ()
      "tpu.region"() ({
        %run_scoped3A = tpu.sem_alloc : memref<!tpu.dma_semaphore, #tpu.memory_space<semaphore_mem>>
        %dma_start3A = arith.constant 0 : i32
        %dma_start3A_106 = tpu.memref_slice %arg6[%dma_start3A] : memref<20000xf32, #tpu.memory_space<vmem>> -> memref<20000xf32, #tpu.memory_space<vmem>>
        %dma_start3A_107 = arith.constant 0 : i32
        %dma_start3A_108 = tpu.memref_slice %arg4[%add3A_30, %dma_start3A_107] : memref<16x20000xf32, #tpu.memory_space<hbm>> -> memref<1x20000xf32, #tpu.memory_space<hbm>>
        %dma_start3A_109 = tpu.memref_squeeze %dma_start3A_108 : memref<1x20000xf32, #tpu.memory_space<hbm>> -> memref<20000xf32, #tpu.memory_space<hbm>>
        %dma_start3A_110 = arith.constant 0 : i32
        %dma_start3A_111 = tpu.memref_slice %arg4[%add3A_30, %dma_start3A_110] : memref<16x20000xf32, #tpu.memory_space<hbm>> -> memref<1x20000xf32, #tpu.memory_space<hbm>>
        %dma_start3A_112 = tpu.memref_squeeze %dma_start3A_111 : memref<1x20000xf32, #tpu.memory_space<hbm>> -> memref<20000xf32, #tpu.memory_space<hbm>>
        %dma_start3A_113 = arith.constant 0 : i32
        %dma_start3A_114 = tpu.memref_slice %arg6[%dma_start3A_113] : memref<20000xf32, #tpu.memory_space<vmem>> -> memref<20000xf32, #tpu.memory_space<vmem>>
        tpu.enqueue_dma source(%dma_start3A_114 : memref<20000xf32, #tpu.memory_space<vmem>>) target(%dma_start3A_112 : memref<20000xf32, #tpu.memory_space<hbm>>) target_semaphore(%run_scoped3A : memref<!tpu.dma_semaphore, #tpu.memory_space<semaphore_mem>>)
        %dma_wait3A = arith.constant 0 : i32
        %dma_wait3A_115 = tpu.memref_slice %arg6[%dma_wait3A] : memref<20000xf32, #tpu.memory_space<vmem>> -> memref<20000xf32, #tpu.memory_space<vmem>>
        %dma_wait3A_116 = arith.constant 0 : i32
        %dma_wait3A_117 = tpu.memref_slice %arg4[%add3A_30, %dma_wait3A_116] : memref<16x20000xf32, #tpu.memory_space<hbm>> -> memref<1x20000xf32, #tpu.memory_space<hbm>>
        %dma_wait3A_118 = tpu.memref_squeeze %dma_wait3A_117 : memref<1x20000xf32, #tpu.memory_space<hbm>> -> memref<20000xf32, #tpu.memory_space<hbm>>
        %dma_wait3A_119 = arith.constant 0 : i32
        %dma_wait3A_120 = tpu.memref_slice %arg4[%add3A_30, %dma_wait3A_119] : memref<16x20000xf32, #tpu.memory_space<hbm>> -> memref<1x20000xf32, #tpu.memory_space<hbm>>
        %dma_wait3A_121 = tpu.memref_squeeze %dma_wait3A_120 : memref<1x20000xf32, #tpu.memory_space<hbm>> -> memref<20000xf32, #tpu.memory_space<hbm>>
        %dma_wait3A_122 = arith.constant 0 : i32
        %dma_wait3A_123 = tpu.memref_slice %arg6[%dma_wait3A_122] : memref<20000xf32, #tpu.memory_space<vmem>> -> memref<20000xf32, #tpu.memory_space<vmem>>
        tpu.wait_dma2 semaphore(%run_scoped3A : memref<!tpu.dma_semaphore, #tpu.memory_space<semaphore_mem>>) src(%dma_wait3A_123 : memref<20000xf32, #tpu.memory_space<vmem>>) dst(%dma_wait3A_121 : memref<20000xf32, #tpu.memory_space<hbm>>)
        tpu.yield
      }) : () -> ()
    } else {
    }
    return
  }
}

</mosaic_0001>

<sc_bundles>
// kernel: kernel.3.cloned.1.call-start
scs
__scs_entry_jumppad:
0x0: {  	(pc) =	sbr.rel $0x88, $3  }
0x1: {  	(tag) =	ssettag $0x0;
	lr =	simm.s32 $0x1  }
0x2: {  	[smem:$0x3F9E] =	sst lr;
	_ =	strace $0xD0000000  }
0x3: {  	_ = 	snop  }
0x4: {  	_ = 	snop  }
0x5: {  	_ = 	snop  }
0x6: {  	_ = 	snop  }
0x7: {  	_ = 	snop  }
__scs_overlays_trampoline_lowered:
0x8: {  	[smem:$0x3FAD] =	sst s0  }
0x9: {  	[smem:$0x3FAE] =	sst s1  }
0xa: {  	[smem:$0x3FAF] =	sst s2  }
0xb: {  	[smem:$0x3FB0] =	sst s3  }
0xc: {  	[smem:$0x3FB1] =	sst s4  }
0xd: {  	[smem:$0x3FB2] =	sst s5  }
0xe: {  	[smem:$0x3FB3] =	sst s6  }
0xf: {  	[smem:$0x3FB4] =	sst s7  }
0x10: {  	[smem:$0x3FB5] =	sst s8  }
0x11: {  	[smem:$0x3FB6] =	sst s9;
	s0 =	simm.s32 @!p0 $0x0  }
0x12: {  	s1 =	sld [smem:$0x3F9C];
	s0 =	simm.s32 @p0 $0x1  }
0x13: {  	[smem:$0x3FB7] =	sst s0;
	s0 =	simm.s32 @!p1 $0x0  }
0x14: {  	s2 =	sld [smem:$0x3F9B];
	s0 =	simm.s32 @p1 $0x1  }
0x15: {  	[smem:$0x3FB8] =	sst s0;
	s0 =	simm.s32 @!p2 $0x0  }
0x16: {  	s3 =	sld [smem:$0x3FDB];
	s0 =	simm.s32 @p2 $0x1  }
0x17: {  	s4 =	simm.s32 $0x1BF5;
	[smem:$0x3FBA] =	sst s0  }
0x18: {  	s0 =	sld [smem:$0x3F9D];
	_ =	swait.ge [sflag:s4], $0x0  }
0x19: {  	s7 =	sld [smem:$0x3F9E]  }
0x1a: {  	s8 =	sadd.s32 $0xFFFFE003, lr  }
0x1b: {  	s9 =	sadd.s32 $0xFFFFFEF7, lr;
	s5 =	simm.s32 $0xFFFFFFFF;
	p2 =	slt.u32 s8, $0xFFFFF086  }
0x1c: {  	p1 =	slt.u32 s9, $0xF7A;
	s5 =	simm.s32 @!p2 $0x0  }
0x1d: {  	s5 =	simm.s32 @p1 $0x1;
	p0 =	seq.s32 s7, s2  }
0x1e: {  	s7 =	smul.u32 @!p0 $0xF7A, s2;
	p2 =	seq.s32 @!p0 s5, $0x0  }
0x1f: {  	s9 =	smul.u32 $0xF7A, s1;
	s8 =	simm.s32 @!p0 $0x1BF5;
	p2 =	por !p2, p0  }
0x20: {  	[sflag:s8] =	ssyncset.s32 @!p0 $0xFFFFF086;
	s6 =	sadd.s32 @!p0 s3, s7;
	s7 =	simm.s32 @!p0 $0x108  }
0x21: {  	s3 =	sadd.s32 s3, s9;
	s6 =	sadd.s32 @!p0 $0x88, s6;
	s7 =	simm.s32 @p2 $0x1082  }
0x22: {  	[simem:s7], [sflag:s8] =	dma.local @!p0 [hbm:s6], $0xF7A  }
0x23: {  	s9 =	sor.u32 $0xD0000000, s2;
	s6 =	simm.s32 $0x108;
	_ =	swait.ge @!p0 [sflag:s8], $0x0  }
0x24: {  	s3 =	sadd.s32 $0x88, s3;
	s6 =	simm.s32 @!p1 $0x1082;
	[sflag:s4] =	ssyncset.s32 $0xFFFFF086  }
0x25: {  	[simem:s6], [sflag:s4] =	dma.local [hbm:s3], $0xF7A  }
0x26: {  	[smem:$0x3F9E] =	sst s1;
	(tag) =	ssettag s2;
	_ =	strace s9  }
0x27: {  	s1 =	sld [smem:$0x3FAE]  }
0x28: {  	s2 =	sld [smem:$0x3FAF]  }
0x29: {  	s4 =	sld [smem:$0x3FB1]  }
0x2a: {  	p0 =	seq.s32 s5, $0x0;
	s5 =	sld [smem:$0x3FB2]  }
0x2b: {  	s6 =	sld [smem:$0x3FB3]  }
0x2c: {  	s7 =	sld [smem:$0x3FB4]  }
0x2d: {  	s3 =	simm.s32 $0x108;
	s8 =	sld [smem:$0x3FB5]  }
0x2e: {  	s3 =	simm.s32 @!p0 $0x1082;
	s9 =	sld [smem:$0x3FB6]  }
0x2f: {  	lr =	sadd.s32 s0, s3;
	s0 =	sld [smem:$0x3FAD]  }
0x30: {  	s3 =	sld [smem:$0x3FB0]  }
0x31: {  	[smem:$0x3FB9] =	sst s10  }
0x32: {  	s10 =	sld [smem:$0x3FB7];
	_ =	sdelay $0x3  }
0x33: {  	p0 =	seq.s32 s10, $0x1;
	s10 =	sld [smem:$0x3FB9];
	_ =	sdelay $0x3  }
0x34: {  	[smem:$0x3FB9] =	sst s10  }
0x35: {  	s10 =	sld [smem:$0x3FB8];
	_ =	sdelay $0x3  }
0x36: {  	p1 =	seq.s32 s10, $0x1;
	s10 =	sld [smem:$0x3FB9];
	_ =	sdelay $0x3  }
0x37: {  	[smem:$0x3FB9] =	sst s10  }
0x38: {  	s10 =	sld [smem:$0x3FBA]  }
0x39: {  	_ = 	snop;
	(pc) =	sbr.ind lr, $3  }
0x3a: {  	_ = 	snop  }
0x3b: {  	_ = 	snop  }
0x3c: {  	p2 =	seq.s32 s10, $0x1;
	s10 =	sld [smem:$0x3FB9]  }
0x3d: {  	_ =	shalt  }
0x3e: {  	_ =	shalt  }
0x3f: {  	_ =	shalt  }
0x40: {  	_ =	shalt  }
0x41: {  	_ =	shalt  }
0x42: {  	_ =	shalt  }
0x43: {  	_ =	shalt  }
0x44: {  	_ =	shalt  }
0x45: {  	_ =	shalt  }
0x46: {  	_ =	shalt  }
0x47: {  	_ =	shalt  }
0x48: {  	_ =	shalt  }
0x49: {  	_ =	shalt  }
0x4a: {  	_ =	shalt  }
0x4b: {  	_ =	shalt  }
0x4c: {  	_ =	shalt  }
0x4d: {  	_ =	shalt  }
0x4e: {  	_ =	shalt  }
0x4f: {  	_ =	shalt  }
0x50: {  	_ =	shalt  }
0x51: {  	_ =	shalt  }
0x52: {  	_ =	shalt  }
0x53: {  	_ =	shalt  }
0x54: {  	_ =	shalt  }
0x55: {  	_ =	shalt  }
0x56: {  	_ =	shalt  }
0x57: {  	_ =	shalt  }
0x58: {  	_ =	shalt  }
0x59: {  	_ =	shalt  }
0x5a: {  	_ =	shalt  }
0x5b: {  	_ =	shalt  }
0x5c: {  	_ =	shalt  }
0x5d: {  	_ =	shalt  }
0x5e: {  	_ =	shalt  }
0x5f: {  	_ =	shalt  }
0x60: {  	_ =	shalt  }
0x61: {  	_ =	shalt  }
0x62: {  	_ =	shalt  }
0x63: {  	_ =	shalt  }
0x64: {  	_ =	shalt  }
0x65: {  	_ =	shalt  }
0x66: {  	_ =	shalt  }
0x67: {  	_ =	shalt  }
0x68: {  	_ =	shalt  }
0x69: {  	_ =	shalt  }
0x6a: {  	_ =	shalt  }
0x6b: {  	_ =	shalt  }
0x6c: {  	_ =	shalt  }
0x6d: {  	_ =	shalt  }
0x6e: {  	_ =	shalt  }
0x6f: {  	_ =	shalt  }
0x70: {  	_ =	shalt  }
0x71: {  	_ =	shalt  }
0x72: {  	_ =	shalt  }
0x73: {  	_ =	shalt  }
0x74: {  	_ =	shalt  }
0x75: {  	_ =	shalt  }
0x76: {  	_ =	shalt  }
0x77: {  	_ =	shalt  }
0x78: {  	_ =	shalt  }
0x79: {  	_ =	shalt  }
0x7a: {  	_ =	shalt  }
0x7b: {  	_ =	shalt  }
0x7c: {  	_ =	shalt  }
0x7d: {  	_ =	shalt  }
0x7e: {  	_ =	shalt  }
0x7f: {  	_ =	shalt  }
0x80: {  	_ =	shalt  }
0x81: {  	_ =	shalt  }
0x82: {  	_ =	shalt  }
0x83: {  	_ =	shalt  }
0x84: {  	_ =	shalt  }
0x85: {  	_ =	shalt  }
0x86: {  	_ =	shalt  }
0x87: {  	_ =	shalt  }
.Lfunc_end0:
.L_simem_size_0:
called_computation_lowered:
.L_overlay_start_0:
0x88: {  	s2 =	sld [smem:$0x3FD9]  }
0x89: {  	s3 =	sld [smem:$0x3FFE];
	_ =	sdelay $0x1  }
0x8a: {  	s1 =	srdreg.scid  }
0x8b: {  	s0 =	sand.u32 $0x1, s1  }
0x8c: {  	s17 =	sshll.u32 s0, $0xA;
	s2 =	sadd.s32 s3, s2  }
0x8d: {  	s2 =	sadd.s32 s2, s17  }
0x8e: {  	[smem:$0x3FC5] =	sst s2  }
0x8f: {  	_ = 	snop  }
0x90: {  	s2 =	sld [smem:$0x3FD0];
	(tm) =	ssettm $0x1  }
0x91: {  	s18 =	sld [smem:$0x3FFB];
	_ =	sdelay $0x3  }
0x92: {  	_ =	strace s18  }
0x93: {  	s3 =	sld [smem:$0x3FFC];
	_ =	sdelay $0x3  }
0x94: {  	_ =	strace s3  }
0x95: {  	s3 =	sld [smem:$0x3FFD];
	_ =	sdelay $0x3  }
0x96: {  	_ =	strace s3  }
0x97: {  	_ =	strace $0x8FFFFFFF  }
0x98: {  	s19 =	sld [smem:$0x3FDB];
	_ =	sdelay $0x1  }
0x99: {  	s4 =	simm.s32 $_scs_section_size  }
0x9a: {  	s5 =	simm.s32 $_size__tile_overlayer_lowered;
	s6 =	simm.s32 $_tile_overlayer_lowered  }
0x9b: {  	s22 =	simm.s32 $0x1BFF;
	s21 =	sshll.u32 s6, $0x1;
	s3 =	sadd.s32 s4, s19  }
0x9c: {  	s7 =	simm.s32 $0x0;
	s20 =	sshll.u32 s5, $0x1;
	s5 =	sadd.s32 s21, s3  }
0x9d: {  	[timem:s7], [sflag:s22] =	dma.local [hbm:s5], s20  }
0x9e: {  	_ =	swait.ge [sflag:s22], s20  }
0x9f: {  	s4 =	ssub.s32 $0x0, s20;
	[sflag:s22] =	ssyncset.done $0x0  }
0xa0: {  	[sflag:s22] =	ssyncadd.s32 s4;
	_ =	sdelay $0x1  }
0xa1: {  	s23 =	simm.s32 $0x1B8B  }
0xa2: {  	_ =	swait.ge [sflag:s23], $0x1  }
0xa3: {  	[sflag:s23] =	ssyncset.done $0x0  }
0xa4: {  	s25 =	simm.s32 $0x1B8E;
	s24 =	sld [smem:$0x3FFE];
	[sflag:s23] =	ssyncadd.s32 $0xFFFFFFFF  }
0xa5: {  	s26 =	simm.s32 $execute0_lowered;
	[smem:$0x3FD2] =	sst s25  }
0xa6: {  	s5 =	sshll.u32 s26, $0x1;
	_ =	strace $0x80000046;
	[dreg:$0x1] =	wrdreg $0xFFFFFFFF  }
0xa7: {  	s28 =	simm.s32 $_size_execute0_lowered;
	s3 =	sadd.s32 s3, s5;
	[dreg:$0x0] =	wrdreg $0x0  }
0xa8: {  	s5 =	sshll.u32 s28, $0x1;
	[dreg:$0x2] =	wrdreg s3  }
0xa9: {  	[dreg:$0x3] =	wrdreg s5  }
0xaa: {  	[dreg:$0x4] =	wrdreg $0xC0  }
0xab: {  	_ =	task [dreg:s7], $0x5FFFF  }
0xac: {  	[dreg:$0x1] =	wrdreg $0xFFFFFFFF  }
0xad: {  	[dreg:$0x0] =	wrdreg $0x60  }
0xae: {  	[dreg:$0x2] =	wrdreg s24  }
0xaf: {  	[dreg:$0x3] =	wrdreg s2  }
0xb0: {  	[dreg:$0x4] =	wrdreg $0xEB800  }
0xb1: {  	[dreg:$0x5] =	wrdreg $0x9  }
0xb2: {  	_ =	task.clear_ibuf [dreg:s7], $0x6FFFF;
	_ =	strace $0x90000046  }
0xb3: {  	s29 =	simm.s32 $0x9;
	_ =	strace $0x80000048  }
0xb4: {  	_ =	swait.ge [sflag:s29], $0x1  }
0xb5: {  	[sflag:s29] =	ssyncadd.s32 $0xFFFFFFFF  }
0xb6: {  	_ =	strace $0x90000048  }
0xb7: {  	_ =	sfence  }
0xb8: {  	s30 =	sld [smem:$0x0];
	_ =	sdelay $0x2  }
0xb9: {  	s31 =	sshll.u32 s1, $0xD;
	s1 =	sshrl.u32 s1, $0x2  }
0xba: {  	s3 =	sand.u32 $0x4000, s31;
	s1 =	sadd.s32 s1, s30  }
0xbb: {  	s0 =	sor.u32 s3, s0;
	s1 =	sshll.u32 s1, $0x11  }
0xbc: {  	s0 =	sor.u32 s1, s0  }
0xbd: {  	s0 =	sadd.s32 $0x8F2B, s0  }
0xbe: {  	[sflag:s0] =	ssyncadd.remote.s32 $0x1  }
0xbf: {  	_ =	sfence.sel $0xFFFF  }
0xc0: {  	[dreg:$0x0] =	wrdreg $0xFFFFFFFF;
	(pc) =	sbr.abs _section_cstart, $3  }
0xc1: {  	[dreg:$0x1] =	wrdreg $0xFFFFFFFF  }
0xc2: {  	_ =	task.clear_ibuf [dreg:s7], $0x2FFFF;
	_ =	strace $0x9FFFFFFF  }
0xc3: {  	(tm) =	ssettm $0x7FFFFFFF  }
tec
execute0_lowered:
.L_overlay_start_1:
0x0: {  	(tag) =	ssettag $0x1  }
0x1: {  	v0 =	vimm.s32 $0x21202120;
	v1 =	vimm.s32 $0x31303130;
	v2 =	vimm.s32 $0x1000100  }
0x2: {  	v3 =	vimm.s32 $0x11101110;
	vm0 =	vcmask $0x1F10;
	v4 =	vimm.s32 $0x3020302  }
0x3: {  	v5 =	vimm.s32 $0x13121312;
	v6 =	vimm.f32 $5.000000000e-01;
	vm1 =	vcmask $0x700  }
0x4: {  	vm10 =	vcmask $0x1710;
	vm11 =	vcmask $0x2720;
	vm13 =	vcmask $0x300  }
0x5: {  	vm12 =	vcmask $0x704;
	vm9 =	vcmask $0x1310;
	vm8 =	vcmask $0x1714  }
0x6: {  	vm15 =	vcmask $0x3730;
	vm7 =	vcmask $0x1B18;
	vm6 =	vcmask $0x1F1C  }
0x7: {  	vm5 =	vcmask $0x2320;
	vm4 =	vcmask $0x2724;
	v7 =	vimm.s32 $0x53525352  }
0x8: {  	vm3 =	vcmask $0x2B28;
	v0 =	vunpack.c.0.s8.s32 v0;
	v1 =	vunpack.c.0.s8.s32 v1  }
0x9: {  	vm2 =	vcmask $0x2F2C;
	v2 =	vunpack.c.0.s8.s32 v2;
	v3 =	vunpack.c.0.s8.s32 v3  }
0xa: {  	vm14 =	vcmask $0x3330;
	v4 =	vunpack.c.0.s8.s32 v4;
	v0 =	vsel vm0, v1, v0  }
0xb: {  	v1 =	vsel vm0, v3, v2;
	v2 =	vimm.s32 $0x23222322;
	v3 =	vimm.s32 $0x33323332  }
0xc: {  	v5 =	vunpack.c.0.s8.s32 v5;
	v2 =	vunpack.c.0.s8.s32 v2;
	v3 =	vunpack.c.0.s8.s32 v3  }
0xd: {  	v0 =	vcombine.low v1, v0;
	v1 =	vsel vm1, $0xBF000000, v6;
	v6 =	vimm.s32 $0x73727372  }
0xe: {  	v1 =	vsel vm10, $0xBF000000, v1;
	vm10 =	vcmask $0xF0C;
	v2 =	vsel vm0, v3, v2  }
0xf: {  	v3 =	vsel vm0, v5, v4;
	v4 =	vimm.s32 $0x9C31;
	v5 =	vimm.s32 $0x63626362  }
0x10: {  	v6 =	vunpack.c.0.s8.s32 v6;
	v4 =	vsel vm13, $0x9C00, v4;
	v5 =	vunpack.c.0.s8.s32 v5  }
0x11: {  	v1 =	vsel vm11, $0xBF000000, v1;
	vm11 =	vcmask $0xB08;
	v4 =	vsel vm12, $0x9C01, v4  }
0x12: {  	v4 =	vsel vm11, $0x9C00, v4;
	v5 =	vsel vm0, v6, v5;
	v6 =	vimm.s32 $0x43424342  }
0x13: {  	v7 =	vunpack.c.0.s8.s32 v7;
	v4 =	vsel vm10, $0x9C01, v4;
	v6 =	vunpack.c.0.s8.s32 v6  }
0x14: {  	v1 =	vsel vm15, $0xBF000000, v1;
	vm15 =	vcmask $0x3B38;
	v4 =	vsel vm9, $0x9C10, v4  }
0x15: {  	v2 =	vcombine.low v3, v2;
	v4 =	vsel vm8, $0x9C11, v4;
	v6 =	vsel vm0, v7, v6  }
0x16: {  	v7 =	vimm.s32 $0x9C73;
	v4 =	vsel vm7, $0x9C10, v4;
	v3 =	vcombine.low v6, v5  }
0x17: {  	v5 =	vimm.s32 $0x9C33;
	v6 =	vimm.s32 $0x9C71;
	v7 =	vsel vm13, $0x9C42, v7  }
0x18: {  	v4 =	vsel vm6, $0x9C11, v4;
	v5 =	vsel vm13, $0x9C02, v5;
	v6 =	vsel vm13, $0x9C40, v6  }
0x19: {  	s2 =	rddreg [dreg:$0x0];
	v7 =	vsel vm12, $0x9C43, v7;
	v4 =	vsel vm5, $0x9C20, v4;
	v5 =	vsel vm12, $0x9C03, v5  }
0x1a: {  	s1 =	srdreg.scid;
	s6 =	rddreg [dreg:$0x1];
	v6 =	vsel vm12, $0x9C41, v6;
	v7 =	vsel vm11, $0x9C42, v7;
	v4 =	vsel vm4, $0x9C21, v4  }
0x1b: {  	s0 =	stileid.u32;
	s7 =	rddreg [dreg:$0x2];
	s3 =	sand.u32 $0x1, s1;
	v5 =	vsel vm11, $0x9C02, v5;
	v6 =	vsel vm11, $0x9C40, v6;
	v7 =	vsel vm10, $0x9C43, v7  }
0x1c: {  	s4 =	sshrl.u32 s0, $0x1;
	s12 =	sand.u32 $0x1, s0;
	s1 =	smul.u32 $0x9C400, s3;
	v4 =	vsel vm3, $0x9C20, v4;
	v5 =	vsel vm10, $0x9C03, v5;
	v6 =	vsel vm10, $0x9C41, v6  }
0x1d: {  	s25 =	sand.u32 $0xE, s0;
	s5 =	sshll.u32 s4, $0x7;
	s11 =	smul.u32 $0x9C00, s12;
	v7 =	vsel vm9, $0x9C52, v7;
	v4 =	vsel vm2, $0x9C21, v4;
	v5 =	vsel vm9, $0x9C12, v5  }
0x1e: {  	s9 =	ssub.s32 $0x2, s3;
	s10 =	sadd.s32 s25, s2;
	s28 =	smul.u32 $0x27400, s3;
	v6 =	vsel vm9, $0x9C50, v6;
	v7 =	vsel vm8, $0x9C53, v7;
	v4 =	vsel vm14, $0x9C30, v4  }
0x1f: {  	s13 =	sshll.u32 s3, $0x4;
	s14 =	smul.u32 $0x9C80, s4;
	p0 =	seq.s32 s12, $0x0;
	v5 =	vsel vm8, $0x9C13, v5;
	v6 =	vsel vm8, $0x9C51, v6;
	v7 =	vsel vm7, $0x9C52, v7  }
0x20: {  	s12 =	simm.s32 $0x0;
	s26 =	sshrl.u32 s9, $0x1;
	s29 =	sadd.s32 s13, s10;
	v4 =	vsel vm15, $0x9C30, v4;
	v5 =	vsel vm7, $0x9C12, v5;
	v6 =	vsel vm7, $0x9C50, v6  }
0x21: {  	s10 =	simm.s32 $0x1;
	s1 =	sor.u32 s1, s5;
	s9 =	ssub.s32 s9, s26;
	v7 =	vsel vm6, $0x9C53, v7;
	v5 =	vsel vm6, $0x9C13, v5;
	v6 =	vsel vm6, $0x9C51, v6  }
0x22: {  	s5 =	sor.u32 s28, s5;
	s4 =	sadd.s32 $0x800, s29;
	s30 =	sshrl.u32 s14, $0x2;
	v7 =	vsel vm5, $0x9C62, v7;
	v5 =	vsel vm5, $0x9C22, v5;
	v6 =	vsel vm5, $0x9C60, v6  }
0x23: {  	s1 =	sshrl.u32 s1, $0x3;
	s31 =	sshrl.u32 s5, $0x3;
	s5 =	sadd.s32 s30, s7;
	v7 =	vsel vm4, $0x9C63, v7;
	v5 =	vsel vm4, $0x9C23, v5;
	v6 =	vsel vm4, $0x9C61, v6  }
0x24: {  	s7 =	smax.u32 s9, $0x1;
	s9 =	simm.s32 $0x400;
	s8 =	sadd.s32 s1, s2;
	v7 =	vsel vm3, $0x9C62, v7;
	v5 =	vsel vm3, $0x9C22, v5;
	v6 =	vsel vm3, $0x9C60, v6  }
0x25: {  	s1 =	rddreg [dreg:$0x3];
	s2 =	simm.s32 $0x0;
	s6 =	sadd.s32 s6, s31;
	v7 =	vsel vm2, $0x9C63, v7;
	v5 =	vsel vm2, $0x9C23, v5;
	v6 =	vsel vm2, $0x9C61, v6  }
0x26: {  	[smem:$0x7FF] =	sst s2;
	s8 =	sadd.s32 s11, s8;
	s11 =	simm.s32 $0xEB00;
	v7 =	vsel vm14, $0x9C72, v7;
	v5 =	vsel vm14, $0x9C32, v5;
	v6 =	vsel vm14, $0x9C70, v6  }
0x27: {  	_ =	strace $0x80000047;
	s3 =	sadd.s32 $0x139000, s8;
	s8 =	simm.s32 $0x80;
	v7 =	vsel vm15, $0x9C72, v7;
	v5 =	vsel vm15, $0x9C32, v5;
	v6 =	vsel vm15, $0x9C70, v6  }
.LBB2_1:
0x28: {  	[tilespmem:s2], [sflag:$0x1] =	stream.strided.gather [hbm4b:s3+s8], $0x9C80, s9, s8, $0x38;
	[tilespmem:$0xFF10] =	vst v63  }
0x29: {  	_ =	swait.ge [sflag:s10], $0x9C80  }
0x2a: {  	s13 =	simm.s32 $0x0;
	[sflag:s10] =	ssyncset.done $0x0  }
0x2b: {  	v8 =	vor.u32 s13, v2;
	[sflag:s10] =	ssyncadd.s32 $0xFFFF6380  }
0x2c: {  	[tilespmem:s11], [sflag:$0x1] =	stream.linear.gather [hbm4b:s4+s2], $0x10, $0x38;
	[tilespmem:$0xFF10] =	vst v63  }
0x2d: {  	v9 =	vor.u32 s13, v0;
	_ =	swait.ge [sflag:s10], $0x10  }
0x2e: {  	[sflag:s10] =	ssyncset.done $0x0  }
0x2f: {  	[sflag:s10] =	ssyncadd.s32 $0xFFFFFFF0  }
0x30: {  	v10 =	vld.idx.msk [tilespmem:v8+s2+$0x0], $0xffff;
	_ =	sdelay $0x1  }
0x31: {  	v9 =	vld.idx.msk [tilespmem:v9+s2+$0x0], $0xffff;
	_ =	sdelay $0x1  }
0x32: {  	v8 =	vld [tilespmem:$0xEB00]  }
0x33: {  	v10 =	vmul.f32 v1, v10  }
0x34: {  	s24 =	simm.s32 $0x40  }
0x35: {  	v9 =	vadd.f32 v10, v9;
	v10 =	vor.u32 s24, v3;
	_ =	sdelay $0x1  }
0x36: {  	v11 =	vor.u32 s24, v0;
	v9 =	vmul.f32 v9, v8  }
0x37: {  	s14 =	simm.s32 $0x70  }
0x38: {  	[tilespmem:s14+$0x9C10] =	vst v9  }
0x39: {  	v9 =	vld.idx.msk [tilespmem:v10+s2+$0x0], $0xffff;
	_ =	sdelay $0x1  }
0x3a: {  	v10 =	vld.idx.msk [tilespmem:v11+s2+$0x0], $0xffff;
	_ =	sdelay $0x2  }
0x3b: {  	v9 =	vmul.f32 v1, v9  }
0x3c: {  	s25 =	simm.s32 $0x80  }
0x3d: {  	v9 =	vadd.f32 v9, v10;
	v10 =	vor.u32 s25, v2;
	_ =	sdelay $0x1  }
0x3e: {  	v11 =	vor.u32 s25, v0;
	v9 =	vmul.f32 v9, v8;
	_ =	sdelay $0x1  }
0x3f: {  	[tilespmem:s14+$0x9C20] =	vst v9  }
0x40: {  	v9 =	vld.idx.msk [tilespmem:v10+s2+$0x0], $0xffff;
	_ =	sdelay $0x1  }
0x41: {  	v10 =	vld.idx.msk [tilespmem:v11+s2+$0x0], $0xffff;
	_ =	sdelay $0x2  }
0x42: {  	v9 =	vmul.f32 v1, v9  }
0x43: {  	s26 =	simm.s32 $0xC0  }
0x44: {  	v9 =	vadd.f32 v9, v10;
	v10 =	vor.u32 s26, v3;
	_ =	sdelay $0x1  }
0x45: {  	v11 =	vor.u32 s26, v0;
	v9 =	vmul.f32 v9, v8;
	_ =	sdelay $0x1  }
0x46: {  	[tilespmem:s14+$0x9C30] =	vst v9  }
0x47: {  	v9 =	vld.idx.msk [tilespmem:v10+s2+$0x0], $0xffff;
	_ =	sdelay $0x1  }
0x48: {  	v10 =	vld.idx.msk [tilespmem:v11+s2+$0x0], $0xffff;
	_ =	sdelay $0x2  }
0x49: {  	v9 =	vmul.f32 v1, v9  }
0x4a: {  	s28 =	simm.s32 $0x100  }
0x4b: {  	v9 =	vadd.f32 v9, v10;
	v10 =	vor.u32 s28, v2;
	_ =	sdelay $0x1  }
0x4c: {  	v11 =	vor.u32 s28, v0;
	v9 =	vmul.f32 v9, v8;
	_ =	sdelay $0x1  }
0x4d: {  	[tilespmem:s14+$0x9C40] =	vst v9  }
0x4e: {  	v9 =	vld.idx.msk [tilespmem:v10+s2+$0x0], $0xffff;
	_ =	sdelay $0x1  }
0x4f: {  	v10 =	vld.idx.msk [tilespmem:v11+s2+$0x0], $0xffff;
	_ =	sdelay $0x2  }
0x50: {  	v9 =	vmul.f32 v1, v9  }
0x51: {  	s29 =	simm.s32 $0x140  }
0x52: {  	v9 =	vadd.f32 v9, v10;
	v10 =	vor.u32 s29, v3;
	_ =	sdelay $0x1  }
0x53: {  	v11 =	vor.u32 s29, v0;
	v9 =	vmul.f32 v9, v8;
	_ =	sdelay $0x1  }
0x54: {  	[tilespmem:s14+$0x9C50] =	vst v9  }
0x55: {  	v9 =	vld.idx.msk [tilespmem:v10+s2+$0x0], $0xffff;
	_ =	sdelay $0x1  }
0x56: {  	v10 =	vld.idx.msk [tilespmem:v11+s2+$0x0], $0xffff;
	_ =	sdelay $0x2  }
0x57: {  	v9 =	vmul.f32 v1, v9  }
0x58: {  	s30 =	simm.s32 $0x180  }
0x59: {  	v9 =	vadd.f32 v9, v10;
	v10 =	vor.u32 s30, v2;
	_ =	sdelay $0x1  }
0x5a: {  	v11 =	vor.u32 s30, v0;
	v9 =	vmul.f32 v9, v8;
	_ =	sdelay $0x1  }
0x5b: {  	[tilespmem:s14+$0x9C60] =	vst v9  }
0x5c: {  	v9 =	vld.idx.msk [tilespmem:v10+s2+$0x0], $0xffff;
	_ =	sdelay $0x1  }
0x5d: {  	v10 =	vld.idx.msk [tilespmem:v11+s2+$0x0], $0xffff;
	_ =	sdelay $0x2  }
0x5e: {  	v9 =	vmul.f32 v1, v9  }
0x5f: {  	s31 =	simm.s32 $0x1C0  }
0x60: {  	v9 =	vadd.f32 v9, v10;
	v10 =	vor.u32 s31, v3;
	_ =	sdelay $0x1  }
0x61: {  	v11 =	vor.u32 s31, v0;
	v9 =	vmul.f32 v9, v8;
	_ =	sdelay $0x1  }
0x62: {  	[tilespmem:s14+$0x9C70] =	vst v9  }
0x63: {  	v9 =	vld.idx.msk [tilespmem:v10+s2+$0x0], $0xffff;
	_ =	sdelay $0x1  }
0x64: {  	v10 =	vld.idx.msk [tilespmem:v11+s2+$0x0], $0xffff;
	_ =	sdelay $0x2  }
0x65: {  	v9 =	vmul.f32 v1, v9  }
0x66: {  	s16 =	simm.s32 $0x200  }
0x67: {  	v11 =	vadd.f32 v9, v10;
	v10 =	vor.u32 s16, v2;
	_ =	sdelay $0x1  }
0x68: {  	s15 =	simm.s32 $0x8;
	s13 =	simm.s32 $0x3C0;
	v9 =	vor.u32 s16, v0;
	v11 =	vmul.f32 v11, v8  }
.LBB2_2:
0x69: {  	_ = 	snop  }
0x6a: {  	s15 =	sadd.s32 $0x8, s15;
	[tilespmem:s14+$0x9C80] =	vst v11  }
0x6b: {  	p1 =	slt.u32 s15, $0x268;
	v10 =	vld.idx.msk [tilespmem:v10+s2+$0x0], $0xffff;
	_ =	sdelay $0x1  }
0x6c: {  	v9 =	vld.idx.msk [tilespmem:v9+s2+$0x0], $0xffff;
	_ =	sdelay $0x3  }
0x6d: {  	v10 =	vmul.f32 v1, v10  }
0x6e: {  	s14 =	sadd.s32 $0xFFFFFE80, s13  }
0x6f: {  	v9 =	vadd.f32 v10, v9;
	v10 =	vor.u32 s14, v3;
	_ =	sdelay $0x1  }
0x70: {  	v11 =	vor.u32 s14, v0;
	v9 =	vmul.f32 v9, v8  }
0x71: {  	s14 =	sshra.s32 s13, $0x2  }
0x72: {  	[tilespmem:s14+$0x9C10] =	vst v9  }
0x73: {  	v9 =	vld.idx.msk [tilespmem:v10+s2+$0x0], $0xffff;
	_ =	sdelay $0x1  }
0x74: {  	v10 =	vld.idx.msk [tilespmem:v11+s2+$0x0], $0xffff;
	_ =	sdelay $0x3  }
0x75: {  	v9 =	vmul.f32 v1, v9  }
0x76: {  	s16 =	sadd.s32 $0xFFFFFEC0, s13  }
0x77: {  	v9 =	vadd.f32 v9, v10;
	v10 =	vor.u32 s16, v2;
	_ =	sdelay $0x1  }
0x78: {  	v11 =	vor.u32 s16, v0;
	v9 =	vmul.f32 v9, v8;
	_ =	sdelay $0x1  }
0x79: {  	[tilespmem:s14+$0x9C20] =	vst v9  }
0x7a: {  	v9 =	vld.idx.msk [tilespmem:v10+s2+$0x0], $0xffff;
	_ =	sdelay $0x1  }
0x7b: {  	v10 =	vld.idx.msk [tilespmem:v11+s2+$0x0], $0xffff;
	_ =	sdelay $0x3  }
0x7c: {  	v9 =	vmul.f32 v1, v9  }
0x7d: {  	s16 =	sadd.s32 $0xFFFFFF00, s13  }
0x7e: {  	v9 =	vadd.f32 v9, v10;
	v10 =	vor.u32 s16, v3;
	_ =	sdelay $0x1  }
0x7f: {  	v11 =	vor.u32 s16, v0;
	v9 =	vmul.f32 v9, v8;
	_ =	sdelay $0x1  }
0x80: {  	[tilespmem:s14+$0x9C30] =	vst v9  }
0x81: {  	v9 =	vld.idx.msk [tilespmem:v10+s2+$0x0], $0xffff;
	_ =	sdelay $0x1  }
0x82: {  	v10 =	vld.idx.msk [tilespmem:v11+s2+$0x0], $0xffff;
	_ =	sdelay $0x3  }
0x83: {  	v9 =	vmul.f32 v1, v9  }
0x84: {  	s16 =	sadd.s32 $0xFFFFFF40, s13  }
0x85: {  	v9 =	vadd.f32 v9, v10;
	v10 =	vor.u32 s16, v2;
	_ =	sdelay $0x1  }
0x86: {  	v11 =	vor.u32 s16, v0;
	v9 =	vmul.f32 v9, v8;
	_ =	sdelay $0x1  }
0x87: {  	[tilespmem:s14+$0x9C40] =	vst v9  }
0x88: {  	v9 =	vld.idx.msk [tilespmem:v10+s2+$0x0], $0xffff;
	_ =	sdelay $0x1  }
0x89: {  	v10 =	vld.idx.msk [tilespmem:v11+s2+$0x0], $0xffff;
	_ =	sdelay $0x3  }
0x8a: {  	v9 =	vmul.f32 v1, v9  }
0x8b: {  	s16 =	sadd.s32 $0xFFFFFF80, s13  }
0x8c: {  	v9 =	vadd.f32 v9, v10;
	v10 =	vor.u32 s16, v3  }
0x8d: {  	v11 =	vor.u32 s16, v0  }
0x8e: {  	v9 =	vmul.f32 v9, v8;
	_ =	sdelay $0x1  }
0x8f: {  	[tilespmem:s14+$0x9C50] =	vst v9  }
0x90: {  	v9 =	vld.idx.msk [tilespmem:v10+s2+$0x0], $0xffff  }
0x91: {  	v10 =	vld.idx.msk [tilespmem:v11+s2+$0x0], $0xffff;
	_ =	sdelay $0x4  }
0x92: {  	v9 =	vmul.f32 v1, v9  }
0x93: {  	s16 =	sadd.s32 $0xFFFFFFC0, s13  }
0x94: {  	v9 =	vadd.f32 v9, v10;
	v10 =	vor.u32 s16, v2  }
0x95: {  	v11 =	vor.u32 s16, v0  }
0x96: {  	v9 =	vmul.f32 v9, v8;
	_ =	sdelay $0x1  }
0x97: {  	[tilespmem:s14+$0x9C60] =	vst v9  }
0x98: {  	v9 =	vld.idx.msk [tilespmem:v10+s2+$0x0], $0xffff  }
0x99: {  	v10 =	vld.idx.msk [tilespmem:v11+s2+$0x0], $0xffff;
	_ =	sdelay $0x4  }
0x9a: {  	v9 =	vmul.f32 v1, v9;
	_ =	sdelay $0x1  }
0x9b: {  	v9 =	vadd.f32 v9, v10;
	v10 =	vor.u32 s13, v3  }
0x9c: {  	v11 =	vor.u32 s13, v0  }
0x9d: {  	v9 =	vmul.f32 v9, v8;
	_ =	sdelay $0x1  }
0x9e: {  	[tilespmem:s14+$0x9C70] =	vst v9  }
0x9f: {  	v9 =	vld.idx.msk [tilespmem:v10+s2+$0x0], $0xffff  }
0xa0: {  	v11 =	vld.idx.msk [tilespmem:v11+s2+$0x0], $0xffff;
	_ =	sdelay $0x4  }
.Ltmp0:
0xa1: {  	s13 =	sadd.s32 $0x200, s13;
	v12 =	vmul.f32 v1, v9;
	(pc) =	sbr.rel @p1 .LBB2_2-.Ltmp0, $3  }
0xa2: {  	s16 =	sadd.s32 $0xFFFFFE40, s13  }
0xa3: {  	v10 =	vor.u32 s16, v2;
	v9 =	vor.u32 s16, v0;
	v11 =	vadd.f32 v12, v11;
	_ =	sdelay $0x1  }
0xa4: {  	v11 =	vmul.f32 v11, v8  }
0xa5: {  	_ =	sdelay $0x2  }
0xa6: {  	[tilespmem:s14+$0x9C80] =	vst v11  }
0xa7: {  	v10 =	vld.idx.msk [tilespmem:v10+s2+$0x0], $0xffff;
	_ =	sdelay $0x1  }
0xa8: {  	v9 =	vld.idx.msk [tilespmem:v9+s2+$0x0], $0xffff;
	_ =	sdelay $0x2  }
0xa9: {  	v10 =	vmul.f32 v1, v10  }
0xaa: {  	s25 =	sadd.s32 $0xFFFFFE80, s13  }
0xab: {  	v41 =	vor.u32 s25, v3;
	v9 =	vadd.f32 v10, v9;
	_ =	sdelay $0x1  }
0xac: {  	v42 =	vor.u32 s25, v0;
	v9 =	vmul.f32 v9, v8  }
0xad: {  	s26 =	sshra.s32 s13, $0x2  }
0xae: {  	[tilespmem:s26+$0x9C10] =	vst v9  }
0xaf: {  	v9 =	vld.idx.msk [tilespmem:v41+s2+$0x0], $0xffff;
	_ =	sdelay $0x1  }
0xb0: {  	v43 =	vld.idx.msk [tilespmem:v42+s2+$0x0], $0xffff;
	_ =	sdelay $0x2  }
0xb1: {  	v9 =	vmul.f32 v1, v9  }
0xb2: {  	s15 =	sadd.s32 $0xFFFFFEC0, s13  }
0xb3: {  	v44 =	vor.u32 s15, v2;
	v9 =	vadd.f32 v9, v43;
	_ =	sdelay $0x1  }
0xb4: {  	v45 =	vor.u32 s15, v0;
	v9 =	vmul.f32 v9, v8;
	_ =	sdelay $0x1  }
0xb5: {  	[tilespmem:s26+$0x9C20] =	vst v9  }
0xb6: {  	v9 =	vld.idx.msk [tilespmem:v44+s2+$0x0], $0xffff;
	_ =	sdelay $0x1  }
0xb7: {  	v46 =	vld.idx.msk [tilespmem:v45+s2+$0x0], $0xffff;
	_ =	sdelay $0x2  }
0xb8: {  	v9 =	vmul.f32 v1, v9  }
0xb9: {  	s28 =	sadd.s32 $0xFFFFFF00, s13  }
0xba: {  	v47 =	vor.u32 s28, v3;
	v9 =	vadd.f32 v9, v46;
	_ =	sdelay $0x1  }
0xbb: {  	v48 =	vor.u32 s28, v0;
	v9 =	vmul.f32 v9, v8;
	_ =	sdelay $0x1  }
0xbc: {  	[tilespmem:s26+$0x9C30] =	vst v9  }
0xbd: {  	v9 =	vld.idx.msk [tilespmem:v47+s2+$0x0], $0xffff;
	_ =	sdelay $0x1  }
0xbe: {  	v49 =	vld.idx.msk [tilespmem:v48+s2+$0x0], $0xffff;
	_ =	sdelay $0x2  }
0xbf: {  	v9 =	vmul.f32 v1, v9  }
0xc0: {  	s29 =	sadd.s32 $0xFFFFFF40, s13  }
0xc1: {  	v50 =	vor.u32 s29, v2;
	v9 =	vadd.f32 v9, v49;
	_ =	sdelay $0x1  }
0xc2: {  	v51 =	vor.u32 s29, v0;
	v9 =	vmul.f32 v9, v8;
	_ =	sdelay $0x1  }
0xc3: {  	[tilespmem:s26+$0x9C40] =	vst v9  }
0xc4: {  	v9 =	vld.idx.msk [tilespmem:v50+s2+$0x0], $0xffff;
	_ =	sdelay $0x1  }
0xc5: {  	v52 =	vld.idx.msk [tilespmem:v51+s2+$0x0], $0xffff;
	_ =	sdelay $0x2  }
0xc6: {  	v9 =	vmul.f32 v1, v9  }
0xc7: {  	s30 =	sadd.s32 $0xFFFFFF80, s13  }
0xc8: {  	v53 =	vor.u32 s30, v3;
	v9 =	vadd.f32 v9, v52;
	_ =	sdelay $0x1  }
0xc9: {  	v54 =	vor.u32 s30, v0;
	v9 =	vmul.f32 v9, v8;
	_ =	sdelay $0x1  }
0xca: {  	[tilespmem:s26+$0x9C50] =	vst v9  }
0xcb: {  	v9 =	vld.idx.msk [tilespmem:v53+s2+$0x0], $0xffff;
	_ =	sdelay $0x1  }
0xcc: {  	v55 =	vld.idx.msk [tilespmem:v54+s2+$0x0], $0xffff;
	_ =	sdelay $0x2  }
0xcd: {  	v9 =	vmul.f32 v1, v9  }
0xce: {  	s31 =	sadd.s32 $0xFFFFFFC0, s13  }
0xcf: {  	v56 =	vor.u32 s31, v2;
	v9 =	vadd.f32 v9, v55;
	_ =	sdelay $0x1  }
0xd0: {  	v57 =	vor.u32 s31, v0;
	v9 =	vmul.f32 v9, v8;
	_ =	sdelay $0x1  }
0xd1: {  	[tilespmem:s26+$0x9C60] =	vst v9  }
0xd2: {  	v9 =	vld.idx.msk [tilespmem:v56+s2+$0x0], $0xffff;
	_ =	sdelay $0x1  }
0xd3: {  	v58 =	vld.idx.msk [tilespmem:v57+s2+$0x0], $0xffff;
	_ =	sdelay $0x2  }
0xd4: {  	v9 =	vmul.f32 v1, v9;
	_ =	sdelay $0x1  }
0xd5: {  	v59 =	vor.u32 s13, v3;
	v9 =	vadd.f32 v9, v58;
	_ =	sdelay $0x1  }
0xd6: {  	v60 =	vor.u32 s13, v0;
	v9 =	vmul.f32 v9, v8;
	_ =	sdelay $0x1  }
0xd7: {  	[tilespmem:s26+$0x9C70] =	vst v9  }
0xd8: {  	v9 =	vld.idx.msk [tilespmem:v59+s2+$0x0], $0xffff;
	_ =	sdelay $0x1  }
0xd9: {  	v61 =	vld.idx.msk [tilespmem:v60+s2+$0x0], $0xffff;
	_ =	sdelay $0x2  }
0xda: {  	v9 =	vmul.f32 v1, v9;
	_ =	sdelay $0x1  }
0xdb: {  	v9 =	vadd.f32 v9, v61;
	_ =	sdelay $0x1  }
0xdc: {  	v9 =	vmul.f32 v9, v8;
	_ =	sdelay $0x1  }
0xdd: {  	[tilespmem:s26+$0x9C80] =	vst v9  }
0xde: {  	v9 =	vld.idx.msk [tilespmem:v5+s2+$0x0], $0xffff;
	_ =	sdelay $0x1  }
0xdf: {  	v62 =	vld.idx.msk [tilespmem:v4+s2+$0x0], $0xffff;
	_ =	sdelay $0x2  }
0xe0: {  	v9 =	vmul.f32 v1, v9;
	_ =	sdelay $0x1  }
0xe1: {  	v9 =	vadd.f32 v9, v62;
	_ =	sdelay $0x1  }
0xe2: {  	v9 =	vmul.f32 v9, v8;
	_ =	sdelay $0x1  }
0xe3: {  	[tilespmem:$0xC380] =	vst v9  }
0xe4: {  	v9 =	vld.idx.msk [tilespmem:v7+s2+$0x0], $0xffff;
	_ =	sdelay $0x1  }
0xe5: {  	v63 =	vld.idx.msk [tilespmem:v6+s2+$0x0], $0xffff;
	_ =	sdelay $0x2  }
0xe6: {  	v9 =	vmul.f32 v1, v9;
	_ =	sdelay $0x1  }
0xe7: {  	v9 =	vadd.f32 v9, v63;
	_ =	sdelay $0x1  }
0xe8: {  	v8 =	vmul.f32 v9, v8;
	_ =	sdelay $0x1  }
0xe9: {  	[tilespmem:$0xC390] =	vst v8  }
0xea: {  	s13 =	simm.s32 @p0 $0xC380;
	[bflag:$0x0] =	sbarrier.arrive @p0 $0xFFFF  }
0xeb: {  	[tilespmem:s13], [sflag:$0x1] =	stream.linear.gather @p0 [spmem:s5], $0x2720, $0x38;
	[tilespmem:$0xFF10] =	vst v63  }
0xec: {  	s13 =	simm.s32 @p0 $0x1  }
0xed: {  	_ =	swait.ge @p0 [sflag:s13], $0x2720  }
0xee: {  	s16 =	simm.s32 @p0 $0x9C80;
	[sflag:s13] =	ssyncset.done @p0 $0x0  }
0xef: {  	s14 =	simm.s32 @p0 $0x80;
	s15 =	simm.s32 @p0 $0x400;
	[sflag:s13] =	ssyncadd.s32 @p0 $0xFFFFD8E0  }
0xf0: {  	[hbm4b:s6+s14] =	stream.strided.scatter @p0 [tilespmem:s16], [sflag:$0x1], $0x4E80, s15, s14, $0x38;
	[tilespmem:$0xFF10] =	vst v63  }
0xf1: {  	_ =	swait.ge @p0 [sflag:s13], $0x4E80  }
0xf2: {  	[sflag:s13] =	ssyncset.done @p0 $0x0  }
0xf3: {  	s12 =	sadd.s32 $0x1, s12;
	[sflag:s13] =	ssyncadd.s32 @p0 $0xFFFFB180;
	s13 =	simm.s32 @!p0 $0x9C80  }
0xf4: {  	[spmem:s5] =	stream.linear.scatter @!p0 [tilespmem:s13], [sflag:$0x1], $0x2720, $0x38;
	[tilespmem:$0xFF10] =	vst v63  }
0xf5: {  	p1 =	sne.s32 s12, s7;
	s13 =	simm.s32 @!p0 $0x1  }
.Ltmp1:
0xf6: {  	_ =	swait.ge @!p0 [sflag:s13], $0x2720;
	(pc) =	sbr.rel @p1 .LBB2_1-.Ltmp1, $3  }
0xf7: {  	[sflag:s13] =	ssyncset.done @!p0 $0x0  }
0xf8: {  	[sflag:s13] =	ssyncadd.s32 @!p0 $0xFFFFD8E0  }
0xf9: {  	[bflag:$0x0] =	sbarrier.arrive @!p0 $0xFFFF;
	_ =	sdelay $0x1  }
0xfa: {  	_ =	sfence.sel $0x180000  }
0xfb: {  	[bflag:$0x0] =	sbarrier.arrive $0xFFFF  }
0xfc: {  	p0 =	sne.s32 s0, $0x0;
	_ =	strace $0x90000047  }
0xfd: {  	s0 =	sadd.s32 @!p0 $0x100000, s1;
	[bflag:$0x2] =	sbarrier.arrive $0xFFFF  }
0xfe: {  	[sflag:s0] =	ssyncadd.tile.s32 @!p0 $0x1;
	_ =	shalt  }
.Lfunc_end2:
_tile_overlayer_lowered:
.L_overlay_start_2:
0xff: {  	(tag) =	ssettag $0x2  }
0x100: {  	s0 =	rddreg [dreg:$0x0];
	s2 =	stileid.u32  }
0x101: {  	s1 =	rddreg [dreg:$0x1];
	p0 =	sne.s32 s2, $0x0  }
0x102: {  	s3 =	rddreg [dreg:$0x2];
	[bflag:$0x3] =	sbarrier.arrive $0xFFFF;
	s2 =	simm.s32 @!p0 $0x1C01  }
0x103: {  	[timem:s3], [sflag:s2] =	dma.local @!p0 [hbm:s0], s1  }
0x104: {  	s0 =	simm.s32 @!p0 $0x1  }
0x105: {  	_ =	swait.ge @!p0 [sflag:s0], s1  }
0x106: {  	s1 =	ssub.s32 @!p0 $0x0, s1;
	[sflag:s0] =	ssyncset.done @!p0 $0x0  }
0x107: {  	[sflag:s0] =	ssyncadd.s32 @!p0 s1  }
0x108: {  	[bflag:$0x3] =	sbarrier.arrive $0xFFFF  }
0x109: {  	_ =	shalt  }

</sc_bundles>
